<compile_context>
chip_gen: v7x
topology: tpu7x:2x2x1
jax: 0.10.2.dev20260603
libtpu: 0.0.44.dev20260713+nightly
codegen_flags: <defaults>
</compile_context>

<pallas_src>
import functools

import jax
import jax.numpy as jnp
from jax import lax
from jax.experimental import pallas as pl
from jax.experimental.pallas import tpu as pltpu
from jax.experimental.pallas import tpu_sc as plsc

N = 20000
K = 1024
NPAD = 20480
ROWS = NPAD // 8
NEG_INF = float("-inf")

SC_CORES = 2
SC_SUBCORES = 16
SC_WORKERS = SC_CORES * SC_SUBCORES
CHUNK = NPAD // SC_WORKERS


_T = NPAD // 1024


def _fps_kernel(planes_ref, rows_ref, idx_ref, clusters_ref, grid_ref):
    idx_grid = (lax.broadcasted_iota(jnp.int32, (_T, 8, 128), 0) * 1024
                + lax.broadcasted_iota(jnp.int32, (_T, 8, 128), 1) * 128
                + lax.broadcasted_iota(jnp.int32, (_T, 8, 128), 2))
    grid_ref[...] = idx_grid.astype(jnp.float32)
    valid = idx_grid < N

    def dist_to(row):
        d = (planes_ref[0] - row[0:1, 0:1]) ** 2
        for c in range(1, 6):
            d = d + (planes_ref[c] - row[0:1, c:c + 1]) ** 2
        return d

    idx_ref[0:1, :] = jnp.zeros((1, 1), jnp.int32)
    row0 = rows_ref[0, 0:1, :]
    clusters_ref[0:1, :] = row0
    dists0 = jnp.where(valid, dist_to(row0), NEG_INF)

    def body(t, dists):
        m = jnp.max(jnp.max(dists, axis=0), axis=(0, 1), keepdims=True)
        cand = jnp.where(dists == m, grid_ref[...], jnp.inf)
        nf = jnp.min(jnp.min(cand, axis=0), axis=(0, 1), keepdims=True)
        idx_ref[pl.ds(t, 1), :] = nf.astype(jnp.int32)
        nxt = nf[0, 0].astype(jnp.int32)
        row = rows_ref[nxt // 8, pl.ds(nxt % 8, 1), :]
        clusters_ref[pl.ds(t, 1), :] = row
        return jnp.minimum(dists, dist_to(row))

    lax.fori_loop(1, K, body, dists0)


def _fps_call(planes, rows):
    return pl.pallas_call(
        _fps_kernel,
        out_shape=(
            jax.ShapeDtypeStruct((K, 1), jnp.int32),
            jax.ShapeDtypeStruct((K, 8), jnp.float32),
        ),
        scratch_shapes=[pltpu.VMEM((_T, 8, 128), jnp.float32)],
    )(planes, rows)


_KNN_B = 2048


def _knn_kernel(pts_ref, ct_ref, nn_ref, idxe_ref):
    p = pts_ref[...]
    ct = ct_ref[...]
    a2 = jnp.sum(p * p, axis=1, keepdims=True)
    b2 = jnp.sum(ct * ct, axis=0, keepdims=True)
    dots = jnp.dot(p, ct, preferred_element_type=jnp.float32)
    d2 = (a2 + b2) - 2.0 * dots
    m = jnp.min(d2, axis=1, keepdims=True)
    ks = lax.broadcasted_iota(jnp.int32, d2.shape, 1)
    nn = jnp.min(jnp.where(d2 == m, ks, K), axis=1, keepdims=True)
    nn_ref[...] = nn
    idxe_ref[...] = nn * 16 + lax.broadcasted_iota(
        jnp.int32, (nn.shape[0], 16), 1)


def _knn_call(pts, ct):
    grid = NPAD // _KNN_B
    return pl.pallas_call(
        _knn_kernel,
        grid=(grid,),
        in_specs=[
            pl.BlockSpec((_KNN_B, 8), lambda i: (i, 0)),
            pl.BlockSpec((8, K), lambda i: (0, 0)),
        ],
        out_specs=(
            pl.BlockSpec((_KNN_B, 1), lambda i: (i, 0)),
            pl.BlockSpec((_KNN_B, 16), lambda i: (i, 0)),
        ),
        out_shape=(
            jax.ShapeDtypeStruct((NPAD, 1), jnp.int32),
            jax.ShapeDtypeStruct((NPAD, 16), jnp.int32),
        ),
    )(pts, ct)


def _scatter_body(idxe_hbm, feats_hbm, zeros_hbm, out_hbm, idxe_v, rows_v,
                  table_v):
    c = lax.axis_index("c")
    s = lax.axis_index("s")
    wid = c * SC_SUBCORES + s
    base = wid * CHUNK * 16
    pltpu.sync_copy(idxe_hbm.at[pl.ds(base, CHUNK * 16)], idxe_v)
    pltpu.sync_copy(feats_hbm.at[pl.ds(base, CHUNK * 16)], rows_v)
    pltpu.sync_copy(zeros_hbm, table_v)

    def step(i, _):
        idx16 = idxe_v[pl.ds(i * 16, 16)]
        dat16 = rows_v[pl.ds(i * 16, 16)]
        plsc.addupdate_scatter(table_v, [idx16], dat16)
        return 0

    lax.fori_loop(0, CHUNK, step, 0)
    pltpu.sync_copy(table_v, out_hbm.at[wid])


def _scatter_call(idx_e, feats, zeros):
    mesh = plsc.VectorSubcoreMesh(core_axis_name="c", subcore_axis_name="s")
    fn = pl.kernel(
        _scatter_body,
        mesh=mesh,
        compiler_params=pltpu.CompilerParams(needs_layout_passes=False),
        out_type=jax.ShapeDtypeStruct((SC_WORKERS, K * 16), jnp.float32),
        scratch_types=[
            pltpu.VMEM((CHUNK * 16,), jnp.int32),
            pltpu.VMEM((CHUNK * 16,), jnp.float32),
            pltpu.VMEM((K * 16,), jnp.float32),
        ],
    )
    return fn(idx_e.reshape(-1), feats.reshape(-1), zeros)


def _finalize_kernel(parts_ref, out_ref):
    t = parts_ref[0]
    for w in range(1, SC_WORKERS):
        t = t + parts_ref[w]
    cnt = jnp.maximum(t[:, 6:7], 1.0)
    out_ref[...] = t / cnt


def _finalize_call(parts):
    return pl.pallas_call(
        _finalize_kernel,
        out_shape=jax.ShapeDtypeStruct((K, 16), jnp.float32),
    )(parts)


def kernel(x, pos, batch):
    pos6d = jnp.concatenate([pos, x], axis=1)
    pts = jnp.pad(pos6d, ((0, NPAD - N), (0, 2)))
    planes = pts.T[:6].reshape(6, NPAD // 1024, 8, 128)
    rows = pts.reshape(ROWS, 8, 8)

    idx2, clusters = _fps_call(planes, rows)
    idx = idx2[:, 0]

    nn2, idx_e = _knn_call(pts, clusters.T)
    nn_full = nn2[:, 0]

    feats = jnp.concatenate(
        [x, pos, jnp.ones((N, 1), jnp.float32)], axis=1)
    feats = jnp.pad(feats, ((0, NPAD - N), (0, 9)))
    parts = _scatter_call(idx_e, feats,
                          jnp.zeros((K * 16,), jnp.float32))
    pooled = _finalize_call(parts.reshape(SC_WORKERS, K, 16))

    x_new = pooled[:, 0:3]
    pos_new = pooled[:, 3:6]
    nn = nn_full[:N]
    edge_index = jnp.stack([jnp.arange(N, dtype=jnp.int32), nn], axis=0)
    batch_new = jnp.take(batch, idx, axis=0)
    return (x_new, pos_new, batch_new, edge_index)

# --- scband reference (transcript-rebuilt; emitter-appended) ---
"""Pipeline reference for scband-pooling-module-33397665694029 (READ-ONLY COPY).

The authoritative reference and input builder live on the scoring server;
editing this copy changes nothing except your own understanding.
"""

import jax, jax.numpy as jnp
import numpy as np

NUM_CLUSTERS = 1024


def fps(points, n_samples):
    # farthest point sampling, random_start=False -> start at index 0
    d0 = jnp.sum((points - points[0]) ** 2, axis=-1)
    def step(dists, _):
        nxt = jnp.argmax(dists)
        d = jnp.sum((points - points[nxt]) ** 2, axis=-1)
        dists = jnp.minimum(dists, d)
        return dists, nxt.astype(jnp.int32)
    _, rest = jax.lax.scan(step, d0, None, length=n_samples - 1)
    idxs = jnp.concatenate([jnp.zeros((1,), jnp.int32), rest])
    return idxs


def setup_inputs(seed: int = 0):
    key = jax.random.key(seed)
    k1, k2 = jax.random.split(key)
    N = 20000
    x = jax.random.normal(k1, (N, 3), dtype=jnp.float32)
    pos = jax.random.uniform(k2, (N, 3), dtype=jnp.float32)
    batch = jnp.zeros((N,), dtype=jnp.int32)  # single graph
    return {"x": x, "pos": pos, "batch": batch}


def reference(x, pos, batch):
    N = x.shape[0]
    K = NUM_CLUSTERS
    pos6d = jnp.concatenate([pos, x], axis=-1)
    # fps(pos6d, batch, ratio=(K+2)/N, random_start=False); idx = idx[:K]
    # FPS is greedy-sequential, so taking the first K samples directly is equivalent.
    idx = fps(jax.lax.stop_gradient(pos6d), K)
    clusters = pos6d[idx]  # [K, 6]
    # knn(pos6d[idx], pos6d, 1): for each point, nearest cluster (1-NN)
    # squared distances via ||a||^2 + ||b||^2 - 2 a.b to avoid [N,K,6] temp
    a2 = jnp.sum(pos6d * pos6d, axis=-1)  # [N]
    b2 = jnp.sum(clusters * clusters, axis=-1)  # [K]
    d2 = a2[:, None] + b2[None, :] - 2.0 * (pos6d @ clusters.T)  # [N, K]
    nn = jnp.argmin(d2, axis=1).astype(jnp.int32)  # [N]
    edge_index = jnp.stack([jnp.arange(N, dtype=jnp.int32), nn], axis=0)  # [2, N]
    # scatter_mean of gathered features/positions into clusters
    counts = jnp.zeros((K,), x.dtype).at[nn].add(1.0)
    counts = jnp.maximum(counts, 1.0)
    x_src = jnp.take(x, edge_index[0], axis=0)
    x_new = jax.ops.segment_sum(x_src, edge_index[1], num_segments=K) / counts[:, None]
    pos_src = jnp.take(pos, edge_index[0], axis=0)
    pos_new = jax.ops.segment_sum(pos_src, edge_index[1], num_segments=K) / counts[:, None]
    return (x_new, pos_new, jnp.take(batch, idx, axis=0), edge_index)

if __name__ == "__main__":
    import jax
    _d = setup_inputs()
    print(jax.jit(kernel)(*tuple(_d.values())))

</pallas_src>

<mosaic_0001>
#map = affine_map<(d0, d1) -> (0)>
#map1 = affine_map<(d0, d1) -> (0, 0)>
module attributes {stable_mosaic.version = 14 : i64} {
  func.func @_scatter_body(%arg0: i32, %arg1: i32, %arg2: memref<327680xi32, #tpu.memory_space<hbm>>, %arg3: memref<327680xf32, #tpu.memory_space<hbm>>, %arg4: memref<16384xf32, #tpu.memory_space<hbm>>, %arg5: memref<32x16384xf32, #tpu.memory_space<hbm>>, %arg6: memref<10240xi32, #tpu.memory_space<vmem>>, %arg7: memref<10240xf32, #tpu.memory_space<vmem>>, %arg8: memref<16384xf32, #tpu.memory_space<vmem>>) attributes {dimension_semantics = [#tpu.dimension_semantics<core_parallel>, #tpu.dimension_semantics<subcore_parallel>], iteration_bounds = array<i64: 2, 16>, scalar_prefetch = 0 : i64, scratch_operands = 3 : i64, tpu.core_type = #tpu.core_type<sc_vector_subcore>, window_params = [{transform_indices = #map}, {transform_indices = #map}, {transform_indices = #map}, {transform_indices = #map1}]} {
    %mul3A = arith.constant 16 : i32
    %mul3A_0 = arith.muli %arg0, %mul3A : i32
    %add3A = arith.addi %mul3A_0, %arg1 : i32
    %mul3A_1 = arith.constant 640 : i32
    %mul3A_2 = arith.muli %add3A, %mul3A_1 : i32
    %mul3A_3 = arith.constant 16 : i32
    %mul3A_4 = arith.muli %mul3A_2, %mul3A_3 : i32
    "tpu.region"() ({
      %run_scoped3A = tpu.sem_alloc : memref<!tpu.dma_semaphore, #tpu.memory_space<semaphore_mem>>
      %dma_start3A = tpu.memref_slice %arg2[%mul3A_4] : memref<327680xi32, #tpu.memory_space<hbm>> -> memref<10240xi32, #tpu.memory_space<hbm>>
      %dma_start3A_11 = tpu.memref_slice %arg2[%mul3A_4] : memref<327680xi32, #tpu.memory_space<hbm>> -> memref<10240xi32, #tpu.memory_space<hbm>>
      tpu.enqueue_dma source(%dma_start3A_11 : memref<10240xi32, #tpu.memory_space<hbm>>) target(%arg6 : memref<10240xi32, #tpu.memory_space<vmem>>) target_semaphore(%run_scoped3A : memref<!tpu.dma_semaphore, #tpu.memory_space<semaphore_mem>>)
      %dma_wait3A = tpu.memref_slice %arg2[%mul3A_4] : memref<327680xi32, #tpu.memory_space<hbm>> -> memref<10240xi32, #tpu.memory_space<hbm>>
      %dma_wait3A_12 = tpu.memref_slice %arg2[%mul3A_4] : memref<327680xi32, #tpu.memory_space<hbm>> -> memref<10240xi32, #tpu.memory_space<hbm>>
      tpu.wait_dma2 semaphore(%run_scoped3A : memref<!tpu.dma_semaphore, #tpu.memory_space<semaphore_mem>>) src(%dma_wait3A_12 : memref<10240xi32, #tpu.memory_space<hbm>>) dst(%arg6 : memref<10240xi32, #tpu.memory_space<vmem>>)
      tpu.yield
    }) : () -> ()
    "tpu.region"() ({
      %run_scoped3A = tpu.sem_alloc : memref<!tpu.dma_semaphore, #tpu.memory_space<semaphore_mem>>
      %dma_start3A = tpu.memref_slice %arg3[%mul3A_4] : memref<327680xf32, #tpu.memory_space<hbm>> -> memref<10240xf32, #tpu.memory_space<hbm>>
      %dma_start3A_11 = tpu.memref_slice %arg3[%mul3A_4] : memref<327680xf32, #tpu.memory_space<hbm>> -> memref<10240xf32, #tpu.memory_space<hbm>>
      tpu.enqueue_dma source(%dma_start3A_11 : memref<10240xf32, #tpu.memory_space<hbm>>) target(%arg7 : memref<10240xf32, #tpu.memory_space<vmem>>) target_semaphore(%run_scoped3A : memref<!tpu.dma_semaphore, #tpu.memory_space<semaphore_mem>>)
      %dma_wait3A = tpu.memref_slice %arg3[%mul3A_4] : memref<327680xf32, #tpu.memory_space<hbm>> -> memref<10240xf32, #tpu.memory_space<hbm>>
      %dma_wait3A_12 = tpu.memref_slice %arg3[%mul3A_4] : memref<327680xf32, #tpu.memory_space<hbm>> -> memref<10240xf32, #tpu.memory_space<hbm>>
      tpu.wait_dma2 semaphore(%run_scoped3A : memref<!tpu.dma_semaphore, #tpu.memory_space<semaphore_mem>>) src(%dma_wait3A_12 : memref<10240xf32, #tpu.memory_space<hbm>>) dst(%arg7 : memref<10240xf32, #tpu.memory_space<vmem>>)
      tpu.yield
    }) : () -> ()
    "tpu.region"() ({
      %run_scoped3A = tpu.sem_alloc : memref<!tpu.dma_semaphore, #tpu.memory_space<semaphore_mem>>
      tpu.enqueue_dma source(%arg4 : memref<16384xf32, #tpu.memory_space<hbm>>) target(%arg8 : memref<16384xf32, #tpu.memory_space<vmem>>) target_semaphore(%run_scoped3A : memref<!tpu.dma_semaphore, #tpu.memory_space<semaphore_mem>>)
      tpu.wait_dma2 semaphore(%run_scoped3A : memref<!tpu.dma_semaphore, #tpu.memory_space<semaphore_mem>>) src(%arg4 : memref<16384xf32, #tpu.memory_space<hbm>>) dst(%arg8 : memref<16384xf32, #tpu.memory_space<vmem>>)
      tpu.yield
    }) : () -> ()
    %scan3A = arith.constant 0 : i32
    %scan3A_5 = arith.constant 0 : i32
    %scan3A_6 = arith.constant 640 : i32
    %scan3A_7 = arith.addi %scan3A_5, %scan3A_6 : i32
    %scan3A_8 = arith.constant 1 : i32
    %scan3A_9 = scf.for %scan3A_11 = %scan3A_5 to %scan3A_7 step %scan3A_8 iter_args(%scan3A_12 = %scan3A) -> (i32)  : i32 {
      %mul3A_13 = arith.constant 16 : i32
      %mul3A_14 = arith.muli %scan3A_11, %mul3A_13 : i32
      %get3A = arith.index_cast %mul3A_14 : i32 to index
      %get3A_15 = tpu.vector_load %arg6[%get3A] {strides = array<i32>} : memref<10240xi32, #tpu.memory_space<vmem>>, vector<16xi32>,
      %mul3A_16 = arith.constant 16 : i32
      %mul3A_17 = arith.muli %scan3A_11, %mul3A_16 : i32
      %get3A_18 = arith.index_cast %mul3A_17 : i32 to index
      %get3A_19 = tpu.vector_load %arg7[%get3A_18] {strides = array<i32>} : memref<10240xf32, #tpu.memory_space<vmem>>, vector<16xf32>,
      tpu.vector_store_idx %arg8[%get3A_15], %get3A_19 {add = true} : memref<16384xf32, #tpu.memory_space<vmem>>[vector<16xi32>], vector<16xf32>,
      %scan3A_20 = arith.constant 0 : i32
      scf.yield %scan3A_20 : i32
    }
    %scan3A_10 = arith.constant 640 : i32
    "tpu.region"() ({
      %run_scoped3A = tpu.sem_alloc : memref<!tpu.dma_semaphore, #tpu.memory_space<semaphore_mem>>
      %dma_start3A = arith.constant 0 : i32
      %dma_start3A_11 = tpu.memref_slice %arg5[%add3A, %dma_start3A] : memref<32x16384xf32, #tpu.memory_space<hbm>> -> memref<1x16384xf32, #tpu.memory_space<hbm>>
      %dma_start3A_12 = tpu.memref_squeeze %dma_start3A_11 : memref<1x16384xf32, #tpu.memory_space<hbm>> -> memref<16384xf32, #tpu.memory_space<hbm>>
      %dma_start3A_13 = arith.constant 0 : i32
      %dma_start3A_14 = tpu.memref_slice %arg5[%add3A, %dma_start3A_13] : memref<32x16384xf32, #tpu.memory_space<hbm>> -> memref<1x16384xf32, #tpu.memory_space<hbm>>
      %dma_start3A_15 = tpu.memref_squeeze %dma_start3A_14 : memref<1x16384xf32, #tpu.memory_space<hbm>> -> memref<16384xf32, #tpu.memory_space<hbm>>
      tpu.enqueue_dma source(%arg8 : memref<16384xf32, #tpu.memory_space<vmem>>) target(%dma_start3A_15 : memref<16384xf32, #tpu.memory_space<hbm>>) target_semaphore(%run_scoped3A : memref<!tpu.dma_semaphore, #tpu.memory_space<semaphore_mem>>)
      %dma_wait3A = arith.constant 0 : i32
      %dma_wait3A_16 = tpu.memref_slice %arg5[%add3A, %dma_wait3A] : memref<32x16384xf32, #tpu.memory_space<hbm>> -> memref<1x16384xf32, #tpu.memory_space<hbm>>
      %dma_wait3A_17 = tpu.memref_squeeze %dma_wait3A_16 : memref<1x16384xf32, #tpu.memory_space<hbm>> -> memref<16384xf32, #tpu.memory_space<hbm>>
      %dma_wait3A_18 = arith.constant 0 : i32
      %dma_wait3A_19 = tpu.memref_slice %arg5[%add3A, %dma_wait3A_18] : memref<32x16384xf32, #tpu.memory_space<hbm>> -> memref<1x16384xf32, #tpu.memory_space<hbm>>
      %dma_wait3A_20 = tpu.memref_squeeze %dma_wait3A_19 : memref<1x16384xf32, #tpu.memory_space<hbm>> -> memref<16384xf32, #tpu.memory_space<hbm>>
      tpu.wait_dma2 semaphore(%run_scoped3A : memref<!tpu.dma_semaphore, #tpu.memory_space<semaphore_mem>>) src(%arg8 : memref<16384xf32, #tpu.memory_space<vmem>>) dst(%dma_wait3A_20 : memref<16384xf32, #tpu.memory_space<hbm>>)
      tpu.yield
    }) : () -> ()
    return
  }
}

module attributes {stable_mosaic.version = 14 : i64} {
  func.func @_fps_kernel(%arg0: memref<6x20x8x128xf32, #tpu.memory_space<vmem>>, %arg1: memref<2560x8x8xf32, #tpu.memory_space<vmem>>, %arg2: memref<1024x1xi32, #tpu.memory_space<vmem>>, %arg3: memref<1024x8xf32, #tpu.memory_space<vmem>>, %arg4: memref<20x8x128xf32, #tpu.memory_space<vmem>>) attributes {dimension_semantics = [], scalar_prefetch = 0 : i64, scratch_operands = 1 : i64, tpu.core_type = #tpu.core_type<tc>} {
    %iota3A = tpu.iota {dimensions = array<i32: 0>} : vector<20x8x128xi32>
    %mul3A = arith.constant 1024 : i32
    %mul3A_0 = vector.broadcast %mul3A : i32 to vector<20x8x128xi32>
    %mul3A_1 = arith.muli %iota3A, %mul3A_0 : vector<20x8x128xi32>
    %iota3A_2 = tpu.iota {dimensions = array<i32: 1>} : vector<20x8x128xi32>
    %mul3A_3 = arith.constant 128 : i32
    %mul3A_4 = vector.broadcast %mul3A_3 : i32 to vector<20x8x128xi32>
    %mul3A_5 = arith.muli %iota3A_2, %mul3A_4 : vector<20x8x128xi32>
    %add3A = arith.addi %mul3A_1, %mul3A_5 : vector<20x8x128xi32>
    %iota3A_6 = tpu.iota {dimensions = array<i32: 2>} : vector<20x8x128xi32>
    %add3A_7 = arith.addi %add3A, %iota3A_6 : vector<20x8x128xi32>
    %convert_element_type3A = arith.sitofp %add3A_7 : vector<20x8x128xi32> to vector<20x8x128xf32>
    %swap3A = arith.constant 0 : index
    %swap3A_8 = arith.constant 0 : index
    %swap3A_9 = arith.constant 0 : index
    %swap3A_10 = vector.load %arg4[%swap3A, %swap3A_8, %swap3A_9] : memref<20x8x128xf32, #tpu.memory_space<vmem>>, vector<20x8x128xf32>
    tpu.vector_store %arg4[%swap3A, %swap3A_8, %swap3A_9], %convert_element_type3A {strides = array<i32>} : memref<20x8x128xf32, #tpu.memory_space<vmem>>, vector<20x8x128xf32>,
    %lt3A = arith.constant 20000 : i32
    %lt3A_11 = vector.broadcast %lt3A : i32 to vector<20x8x128xi32>
    %lt3A_12 = arith.cmpi slt, %add3A_7, %lt3A_11 : vector<20x8x128xi32>
    %broadcast_in_dim3A = arith.constant 0 : i32
    %broadcast_in_dim3A_13 = vector.broadcast %broadcast_in_dim3A : i32 to vector<1x1xi32>
    %swap3A_14 = arith.constant 0 : index
    %swap3A_15 = arith.constant 0 : index
    %swap3A_16 = vector.load %arg2[%swap3A_14, %swap3A_15] : memref<1024x1xi32, #tpu.memory_space<vmem>>, vector<1x1xi32>
    tpu.vector_store %arg2[%swap3A_14, %swap3A_15], %broadcast_in_dim3A_13 {strides = array<i32>} : memref<1024x1xi32, #tpu.memory_space<vmem>>, vector<1x1xi32>,
    %get3A = arith.constant 0 : index
    %get3A_17 = arith.constant 0 : index
    %get3A_18 = arith.constant 0 : index
    %get3A_19 = vector.load %arg1[%get3A, %get3A_17, %get3A_18] : memref<2560x8x8xf32, #tpu.memory_space<vmem>>, vector<1x1x8xf32>
    %get3A_20 = vector.shape_cast %get3A_19 : vector<1x1x8xf32> to vector<1x8xf32>
    %swap3A_21 = arith.constant 0 : index
    %swap3A_22 = arith.constant 0 : index
    %swap3A_23 = vector.load %arg3[%swap3A_21, %swap3A_22] : memref<1024x8xf32, #tpu.memory_space<vmem>>, vector<1x8xf32>
    tpu.vector_store %arg3[%swap3A_21, %swap3A_22], %get3A_20 {strides = array<i32>} : memref<1024x8xf32, #tpu.memory_space<vmem>>, vector<1x8xf32>,
    %get3A_24 = arith.constant 0 : index
    %get3A_25 = arith.constant 0 : index
    %get3A_26 = arith.constant 0 : index
    %get3A_27 = arith.constant 0 : index
    %get3A_28 = vector.load %arg0[%get3A_24, %get3A_25, %get3A_26, %get3A_27] : memref<6x20x8x128xf32, #tpu.memory_space<vmem>>, vector<1x20x8x128xf32>
    %get3A_29 = vector.shape_cast %get3A_28 : vector<1x20x8x128xf32> to vector<20x8x128xf32>
    %slice3A = vector.extract_strided_slice %get3A_20 {offsets = [0, 0], sizes = [1, 1], strides = [1, 1]} : vector<1x8xf32> to vector<1x1xf32>
    %broadcast_in_dim3A_30 = vector.shape_cast %slice3A : vector<1x1xf32> to vector<1x1x1xf32>
    %sub3A = vector.broadcast %broadcast_in_dim3A_30 : vector<1x1x1xf32> to vector<20x8x128xf32>
    %sub3A_31 = arith.subf %get3A_29, %sub3A : vector<20x8x128xf32>
    %integer_pow3A = arith.mulf %sub3A_31, %sub3A_31 : vector<20x8x128xf32>
    %get3A_32 = arith.constant 1 : index
    %get3A_33 = arith.constant 0 : index
    %get3A_34 = arith.constant 0 : index
    %get3A_35 = arith.constant 0 : index
    %get3A_36 = vector.load %arg0[%get3A_32, %get3A_33, %get3A_34, %get3A_35] : memref<6x20x8x128xf32, #tpu.memory_space<vmem>>, vector<1x20x8x128xf32>
    %get3A_37 = vector.shape_cast %get3A_36 : vector<1x20x8x128xf32> to vector<20x8x128xf32>
    %slice3A_38 = vector.extract_strided_slice %get3A_20 {offsets = [0, 1], sizes = [1, 1], strides = [1, 1]} : vector<1x8xf32> to vector<1x1xf32>
    %broadcast_in_dim3A_39 = vector.shape_cast %slice3A_38 : vector<1x1xf32> to vector<1x1x1xf32>
    %sub3A_40 = vector.broadcast %broadcast_in_dim3A_39 : vector<1x1x1xf32> to vector<20x8x128xf32>
    %sub3A_41 = arith.subf %get3A_37, %sub3A_40 : vector<20x8x128xf32>
    %integer_pow3A_42 = arith.mulf %sub3A_41, %sub3A_41 : vector<20x8x128xf32>
    %add3A_43 = arith.addf %integer_pow3A, %integer_pow3A_42 : vector<20x8x128xf32>
    %get3A_44 = arith.constant 2 : index
    %get3A_45 = arith.constant 0 : index
    %get3A_46 = arith.constant 0 : index
    %get3A_47 = arith.constant 0 : index
    %get3A_48 = vector.load %arg0[%get3A_44, %get3A_45, %get3A_46, %get3A_47] : memref<6x20x8x128xf32, #tpu.memory_space<vmem>>, vector<1x20x8x128xf32>
    %get3A_49 = vector.shape_cast %get3A_48 : vector<1x20x8x128xf32> to vector<20x8x128xf32>
    %slice3A_50 = vector.extract_strided_slice %get3A_20 {offsets = [0, 2], sizes = [1, 1], strides = [1, 1]} : vector<1x8xf32> to vector<1x1xf32>
    %broadcast_in_dim3A_51 = vector.shape_cast %slice3A_50 : vector<1x1xf32> to vector<1x1x1xf32>
    %sub3A_52 = vector.broadcast %broadcast_in_dim3A_51 : vector<1x1x1xf32> to vector<20x8x128xf32>
    %sub3A_53 = arith.subf %get3A_49, %sub3A_52 : vector<20x8x128xf32>
    %integer_pow3A_54 = arith.mulf %sub3A_53, %sub3A_53 : vector<20x8x128xf32>
    %add3A_55 = arith.addf %add3A_43, %integer_pow3A_54 : vector<20x8x128xf32>
    %get3A_56 = arith.constant 3 : index
    %get3A_57 = arith.constant 0 : index
    %get3A_58 = arith.constant 0 : index
    %get3A_59 = arith.constant 0 : index
    %get3A_60 = vector.load %arg0[%get3A_56, %get3A_57, %get3A_58, %get3A_59] : memref<6x20x8x128xf32, #tpu.memory_space<vmem>>, vector<1x20x8x128xf32>
    %get3A_61 = vector.shape_cast %get3A_60 : vector<1x20x8x128xf32> to vector<20x8x128xf32>
    %slice3A_62 = vector.extract_strided_slice %get3A_20 {offsets = [0, 3], sizes = [1, 1], strides = [1, 1]} : vector<1x8xf32> to vector<1x1xf32>
    %broadcast_in_dim3A_63 = vector.shape_cast %slice3A_62 : vector<1x1xf32> to vector<1x1x1xf32>
    %sub3A_64 = vector.broadcast %broadcast_in_dim3A_63 : vector<1x1x1xf32> to vector<20x8x128xf32>
    %sub3A_65 = arith.subf %get3A_61, %sub3A_64 : vector<20x8x128xf32>
    %integer_pow3A_66 = arith.mulf %sub3A_65, %sub3A_65 : vector<20x8x128xf32>
    %add3A_67 = arith.addf %add3A_55, %integer_pow3A_66 : vector<20x8x128xf32>
    %get3A_68 = arith.constant 4 : index
    %get3A_69 = arith.constant 0 : index
    %get3A_70 = arith.constant 0 : index
    %get3A_71 = arith.constant 0 : index
    %get3A_72 = vector.load %arg0[%get3A_68, %get3A_69, %get3A_70, %get3A_71] : memref<6x20x8x128xf32, #tpu.memory_space<vmem>>, vector<1x20x8x128xf32>
    %get3A_73 = vector.shape_cast %get3A_72 : vector<1x20x8x128xf32> to vector<20x8x128xf32>
    %slice3A_74 = vector.extract_strided_slice %get3A_20 {offsets = [0, 4], sizes = [1, 1], strides = [1, 1]} : vector<1x8xf32> to vector<1x1xf32>
    %broadcast_in_dim3A_75 = vector.shape_cast %slice3A_74 : vector<1x1xf32> to vector<1x1x1xf32>
    %sub3A_76 = vector.broadcast %broadcast_in_dim3A_75 : vector<1x1x1xf32> to vector<20x8x128xf32>
    %sub3A_77 = arith.subf %get3A_73, %sub3A_76 : vector<20x8x128xf32>
    %integer_pow3A_78 = arith.mulf %sub3A_77, %sub3A_77 : vector<20x8x128xf32>
    %add3A_79 = arith.addf %add3A_67, %integer_pow3A_78 : vector<20x8x128xf32>
    %get3A_80 = arith.constant 5 : index
    %get3A_81 = arith.constant 0 : index
    %get3A_82 = arith.constant 0 : index
    %get3A_83 = arith.constant 0 : index
    %get3A_84 = vector.load %arg0[%get3A_80, %get3A_81, %get3A_82, %get3A_83] : memref<6x20x8x128xf32, #tpu.memory_space<vmem>>, vector<1x20x8x128xf32>
    %get3A_85 = vector.shape_cast %get3A_84 : vector<1x20x8x128xf32> to vector<20x8x128xf32>
    %slice3A_86 = vector.extract_strided_slice %get3A_20 {offsets = [0, 5], sizes = [1, 1], strides = [1, 1]} : vector<1x8xf32> to vector<1x1xf32>
    %broadcast_in_dim3A_87 = vector.shape_cast %slice3A_86 : vector<1x1xf32> to vector<1x1x1xf32>
    %sub3A_88 = vector.broadcast %broadcast_in_dim3A_87 : vector<1x1x1xf32> to vector<20x8x128xf32>
    %sub3A_89 = arith.subf %get3A_85, %sub3A_88 : vector<20x8x128xf32>
    %integer_pow3A_90 = arith.mulf %sub3A_89, %sub3A_89 : vector<20x8x128xf32>
    %add3A_91 = arith.addf %add3A_79, %integer_pow3A_90 : vector<20x8x128xf32>
    %jit3A = arith.constant 0xFF800000 : f32
    %broadcast_in_dim3A_92 = vector.broadcast %jit3A : f32 to vector<20x8x128xf32>
    %select_n3A = arith.select %lt3A_12, %add3A_91, %broadcast_in_dim3A_92 : vector<20x8x128xi1>, vector<20x8x128xf32>
    %scan3A = arith.constant 1 : i32
    %scan3A_93 = arith.constant 1023 : i32
    %scan3A_94 = arith.addi %scan3A, %scan3A_93 : i32
    %scan3A_95 = arith.constant 1 : i32
    %scan3A_96 = scf.for %scan3A_98 = %scan3A to %scan3A_94 step %scan3A_95 iter_args(%scan3A_99 = %select_n3A) -> (vector<20x8x128xf32>)  : i32 {
      %reduce_max3A = arith.constant dense<0xFF800000> : vector<8x128xf32>
      %reduce_max3A_100 = vector.multi_reduction <maximumf>, %scan3A_99, %reduce_max3A [0] : vector<20x8x128xf32> to vector<8x128xf32>
      %reduce_max3A_101 = vector.shape_cast %reduce_max3A_100 : vector<8x128xf32> to vector<1x8x128xf32>
      %reduce_max3A_102 = arith.constant dense<0xFF800000> : vector<1xf32>
      %reduce_max3A_103 = vector.multi_reduction <maximumf>, %reduce_max3A_101, %reduce_max3A_102 [1, 2] : vector<1x8x128xf32> to vector<1xf32>
      %reduce_max3A_104 = vector.shape_cast %reduce_max3A_103 : vector<1xf32> to vector<1x1x1xf32>
      %reduce_max3A_105 = vector.extract %reduce_max3A_104[0, 0, 0] : f32 from vector<1x1x1xf32>
      %broadcast_in_dim3A_106 = vector.broadcast %reduce_max3A_105 : f32 to vector<1x1xf32>
      %broadcast_in_dim3A_107 = vector.shape_cast %broadcast_in_dim3A_106 : vector<1x1xf32> to vector<1x1x1xf32>
      %eq3A = vector.broadcast %broadcast_in_dim3A_107 : vector<1x1x1xf32> to vector<20x8x128xf32>
      %eq3A_108 = arith.cmpf oeq, %scan3A_99, %eq3A : vector<20x8x128xf32>
      %get3A_109 = arith.constant 0 : index
      %get3A_110 = arith.constant 0 : index
      %get3A_111 = arith.constant 0 : index
      %get3A_112 = vector.load %arg4[%get3A_109, %get3A_110, %get3A_111] : memref<20x8x128xf32, #tpu.memory_space<vmem>>, vector<20x8x128xf32>
      %jit3A_113 = arith.constant 0x7F800000 : f32
      %broadcast_in_dim3A_114 = vector.broadcast %jit3A_113 : f32 to vector<20x8x128xf32>
      %select_n3A_115 = arith.select %eq3A_108, %get3A_112, %broadcast_in_dim3A_114 : vector<20x8x128xi1>, vector<20x8x128xf32>
      %reduce_min3A = arith.constant dense<0x7F800000> : vector<8x128xf32>
      %reduce_min3A_116 = vector.multi_reduction <minimumf>, %select_n3A_115, %reduce_min3A [0] : vector<20x8x128xf32> to vector<8x128xf32>
      %reduce_min3A_117 = vector.shape_cast %reduce_min3A_116 : vector<8x128xf32> to vector<1x8x128xf32>
      %reduce_min3A_118 = arith.constant dense<0x7F800000> : vector<1xf32>
      %reduce_min3A_119 = vector.multi_reduction <minimumf>, %reduce_min3A_117, %reduce_min3A_118 [1, 2] : vector<1x8x128xf32> to vector<1xf32>
      %reduce_min3A_120 = vector.shape_cast %reduce_min3A_119 : vector<1xf32> to vector<1x1x1xf32>
      %reduce_min3A_121 = vector.extract %reduce_min3A_120[0, 0, 0] : f32 from vector<1x1x1xf32>
      %broadcast_in_dim3A_122 = vector.broadcast %reduce_min3A_121 : f32 to vector<1x1xf32>
      %convert_element_type3A_123 = arith.fptosi %broadcast_in_dim3A_122 : vector<1x1xf32> to vector<1x1xi32>
      %swap3A_124 = arith.index_cast %scan3A_98 : i32 to index
      %swap3A_125 = arith.constant 0 : index
      %swap3A_126 = vector.load %arg2[%swap3A_124, %swap3A_125] : memref<1024x1xi32, #tpu.memory_space<vmem>>, vector<1x1xi32>
      tpu.vector_store %arg2[%swap3A_124, %swap3A_125], %convert_element_type3A_123 {strides = array<i32>} : memref<1024x1xi32, #tpu.memory_space<vmem>>, vector<1x1xi32>,
      %squeeze3A = vector.extract %broadcast_in_dim3A_122[0, 0] : f32 from vector<1x1xf32>
      %convert_element_type3A_127 = arith.fptosi %squeeze3A : f32 to i32
      %jit3A_128 = arith.constant 8 : i32
      %div3A = arith.divsi %convert_element_type3A_127, %jit3A_128 : i32
      %sign3A = arith.constant 0 : i32
      %sign3A_129 = arith.cmpi sgt, %convert_element_type3A_127, %sign3A : i32
      %sign3A_130 = arith.extui %sign3A_129 : i1 to i32
      %sign3A_131 = arith.constant 0 : i32
      %sign3A_132 = arith.cmpi slt, %convert_element_type3A_127, %sign3A_131 : i32
      %sign3A_133 = arith.extui %sign3A_132 : i1 to i32
      %sign3A_134 = arith.subi %sign3A_130, %sign3A_133 : i32
      %sign3A_135 = arith.constant 0 : i32
      %sign3A_136 = arith.cmpi sgt, %jit3A_128, %sign3A_135 : i32
      %sign3A_137 = arith.extui %sign3A_136 : i1 to i32
      %sign3A_138 = arith.constant 0 : i32
      %sign3A_139 = arith.cmpi slt, %jit3A_128, %sign3A_138 : i32
      %sign3A_140 = arith.extui %sign3A_139 : i1 to i32
      %sign3A_141 = arith.subi %sign3A_137, %sign3A_140 : i32
      %ne3A = arith.cmpi ne, %sign3A_134, %sign3A_141 : i32
      %rem3A = arith.remsi %convert_element_type3A_127, %jit3A_128 : i32
      %ne3A_142 = arith.constant 0 : i32
      %ne3A_143 = arith.cmpi ne, %rem3A, %ne3A_142 : i32
      %and3A = arith.andi %ne3A, %ne3A_143 : i1
      %sub3A_144 = arith.constant 1 : i32
      %sub3A_145 = arith.subi %div3A, %sub3A_144 : i32
      %select_n3A_146 = arith.select %and3A, %sub3A_145, %div3A : i32
      %jit3A_147 = arith.constant 8 : i32
      %eq3A_148 = arith.constant 0 : i32
      %eq3A_149 = arith.cmpi eq, %jit3A_147, %eq3A_148 : i32
      %jit3A_150 = arith.constant 1 : i32
      %select_n3A_151 = arith.select %eq3A_149, %jit3A_150, %jit3A_147 : i32
      %rem3A_152 = arith.remsi %convert_element_type3A_127, %select_n3A_151 : i32
      %ne3A_153 = arith.constant 0 : i32
      %ne3A_154 = arith.cmpi ne, %rem3A_152, %ne3A_153 : i32
      %lt3A_155 = arith.constant 0 : i32
      %lt3A_156 = arith.cmpi slt, %rem3A_152, %lt3A_155 : i32
      %lt3A_157 = arith.constant 0 : i32
      %lt3A_158 = arith.cmpi slt, %select_n3A_151, %lt3A_157 : i32
      %ne3A_159 = arith.xori %lt3A_156, %lt3A_158 : i1
      %and3A_160 = arith.andi %ne3A_159, %ne3A_154 : i1
      %add3A_161 = arith.addi %rem3A_152, %select_n3A_151 : i32
      %select_n3A_162 = arith.select %and3A_160, %add3A_161, %rem3A_152 : i32
      %get3A_163 = arith.index_cast %select_n3A_146 : i32 to index
      %get3A_164 = arith.index_cast %select_n3A_162 : i32 to index
      %get3A_165 = arith.constant 0 : index
      %get3A_166 = vector.load %arg1[%get3A_163, %get3A_164, %get3A_165] : memref<2560x8x8xf32, #tpu.memory_space<vmem>>, vector<1x1x8xf32>
      %get3A_167 = vector.shape_cast %get3A_166 : vector<1x1x8xf32> to vector<1x8xf32>
      %swap3A_168 = arith.index_cast %scan3A_98 : i32 to index
      %swap3A_169 = arith.constant 0 : index
      %swap3A_170 = vector.load %arg3[%swap3A_168, %swap3A_169] : memref<1024x8xf32, #tpu.memory_space<vmem>>, vector<1x8xf32>
      tpu.vector_store %arg3[%swap3A_168, %swap3A_169], %get3A_167 {strides = array<i32>} : memref<1024x8xf32, #tpu.memory_space<vmem>>, vector<1x8xf32>,
      %get3A_171 = arith.constant 0 : index
      %get3A_172 = arith.constant 0 : index
      %get3A_173 = arith.constant 0 : index
      %get3A_174 = arith.constant 0 : index
      %get3A_175 = vector.load %arg0[%get3A_171, %get3A_172, %get3A_173, %get3A_174] : memref<6x20x8x128xf32, #tpu.memory_space<vmem>>, vector<1x20x8x128xf32>
      %get3A_176 = vector.shape_cast %get3A_175 : vector<1x20x8x128xf32> to vector<20x8x128xf32>
      %slice3A_177 = vector.extract_strided_slice %get3A_167 {offsets = [0, 0], sizes = [1, 1], strides = [1, 1]} : vector<1x8xf32> to vector<1x1xf32>
      %broadcast_in_dim3A_178 = vector.shape_cast %slice3A_177 : vector<1x1xf32> to vector<1x1x1xf32>
      %sub3A_179 = vector.broadcast %broadcast_in_dim3A_178 : vector<1x1x1xf32> to vector<20x8x128xf32>
      %sub3A_180 = arith.subf %get3A_176, %sub3A_179 : vector<20x8x128xf32>
      %integer_pow3A_181 = arith.mulf %sub3A_180, %sub3A_180 : vector<20x8x128xf32>
      %get3A_182 = arith.constant 1 : index
      %get3A_183 = arith.constant 0 : index
      %get3A_184 = arith.constant 0 : index
      %get3A_185 = arith.constant 0 : index
      %get3A_186 = vector.load %arg0[%get3A_182, %get3A_183, %get3A_184, %get3A_185] : memref<6x20x8x128xf32, #tpu.memory_space<vmem>>, vector<1x20x8x128xf32>
      %get3A_187 = vector.shape_cast %get3A_186 : vector<1x20x8x128xf32> to vector<20x8x128xf32>
      %slice3A_188 = vector.extract_strided_slice %get3A_167 {offsets = [0, 1], sizes = [1, 1], strides = [1, 1]} : vector<1x8xf32> to vector<1x1xf32>
      %broadcast_in_dim3A_189 = vector.shape_cast %slice3A_188 : vector<1x1xf32> to vector<1x1x1xf32>
      %sub3A_190 = vector.broadcast %broadcast_in_dim3A_189 : vector<1x1x1xf32> to vector<20x8x128xf32>
      %sub3A_191 = arith.subf %get3A_187, %sub3A_190 : vector<20x8x128xf32>
      %integer_pow3A_192 = arith.mulf %sub3A_191, %sub3A_191 : vector<20x8x128xf32>
      %add3A_193 = arith.addf %integer_pow3A_181, %integer_pow3A_192 : vector<20x8x128xf32>
      %get3A_194 = arith.constant 2 : index
      %get3A_195 = arith.constant 0 : index
      %get3A_196 = arith.constant 0 : index
      %get3A_197 = arith.constant 0 : index
      %get3A_198 = vector.load %arg0[%get3A_194, %get3A_195, %get3A_196, %get3A_197] : memref<6x20x8x128xf32, #tpu.memory_space<vmem>>, vector<1x20x8x128xf32>
      %get3A_199 = vector.shape_cast %get3A_198 : vector<1x20x8x128xf32> to vector<20x8x128xf32>
      %slice3A_200 = vector.extract_strided_slice %get3A_167 {offsets = [0, 2], sizes = [1, 1], strides = [1, 1]} : vector<1x8xf32> to vector<1x1xf32>
      %broadcast_in_dim3A_201 = vector.shape_cast %slice3A_200 : vector<1x1xf32> to vector<1x1x1xf32>
      %sub3A_202 = vector.broadcast %broadcast_in_dim3A_201 : vector<1x1x1xf32> to vector<20x8x128xf32>
      %sub3A_203 = arith.subf %get3A_199, %sub3A_202 : vector<20x8x128xf32>
      %integer_pow3A_204 = arith.mulf %sub3A_203, %sub3A_203 : vector<20x8x128xf32>
      %add3A_205 = arith.addf %add3A_193, %integer_pow3A_204 : vector<20x8x128xf32>
      %get3A_206 = arith.constant 3 : index
      %get3A_207 = arith.constant 0 : index
      %get3A_208 = arith.constant 0 : index
      %get3A_209 = arith.constant 0 : index
      %get3A_210 = vector.load %arg0[%get3A_206, %get3A_207, %get3A_208, %get3A_209] : memref<6x20x8x128xf32, #tpu.memory_space<vmem>>, vector<1x20x8x128xf32>
      %get3A_211 = vector.shape_cast %get3A_210 : vector<1x20x8x128xf32> to vector<20x8x128xf32>
      %slice3A_212 = vector.extract_strided_slice %get3A_167 {offsets = [0, 3], sizes = [1, 1], strides = [1, 1]} : vector<1x8xf32> to vector<1x1xf32>
      %broadcast_in_dim3A_213 = vector.shape_cast %slice3A_212 : vector<1x1xf32> to vector<1x1x1xf32>
      %sub3A_214 = vector.broadcast %broadcast_in_dim3A_213 : vector<1x1x1xf32> to vector<20x8x128xf32>
      %sub3A_215 = arith.subf %get3A_211, %sub3A_214 : vector<20x8x128xf32>
      %integer_pow3A_216 = arith.mulf %sub3A_215, %sub3A_215 : vector<20x8x128xf32>
      %add3A_217 = arith.addf %add3A_205, %integer_pow3A_216 : vector<20x8x128xf32>
      %get3A_218 = arith.constant 4 : index
      %get3A_219 = arith.constant 0 : index
      %get3A_220 = arith.constant 0 : index
      %get3A_221 = arith.constant 0 : index
      %get3A_222 = vector.load %arg0[%get3A_218, %get3A_219, %get3A_220, %get3A_221] : memref<6x20x8x128xf32, #tpu.memory_space<vmem>>, vector<1x20x8x128xf32>
      %get3A_223 = vector.shape_cast %get3A_222 : vector<1x20x8x128xf32> to vector<20x8x128xf32>
      %slice3A_224 = vector.extract_strided_slice %get3A_167 {offsets = [0, 4], sizes = [1, 1], strides = [1, 1]} : vector<1x8xf32> to vector<1x1xf32>
      %broadcast_in_dim3A_225 = vector.shape_cast %slice3A_224 : vector<1x1xf32> to vector<1x1x1xf32>
      %sub3A_226 = vector.broadcast %broadcast_in_dim3A_225 : vector<1x1x1xf32> to vector<20x8x128xf32>
      %sub3A_227 = arith.subf %get3A_223, %sub3A_226 : vector<20x8x128xf32>
      %integer_pow3A_228 = arith.mulf %sub3A_227, %sub3A_227 : vector<20x8x128xf32>
      %add3A_229 = arith.addf %add3A_217, %integer_pow3A_228 : vector<20x8x128xf32>
      %get3A_230 = arith.constant 5 : index
      %get3A_231 = arith.constant 0 : index
      %get3A_232 = arith.constant 0 : index
      %get3A_233 = arith.constant 0 : index
      %get3A_234 = vector.load %arg0[%get3A_230, %get3A_231, %get3A_232, %get3A_233] : memref<6x20x8x128xf32, #tpu.memory_space<vmem>>, vector<1x20x8x128xf32>
      %get3A_235 = vector.shape_cast %get3A_234 : vector<1x20x8x128xf32> to vector<20x8x128xf32>
      %slice3A_236 = vector.extract_strided_slice %get3A_167 {offsets = [0, 5], sizes = [1, 1], strides = [1, 1]} : vector<1x8xf32> to vector<1x1xf32>
      %broadcast_in_dim3A_237 = vector.shape_cast %slice3A_236 : vector<1x1xf32> to vector<1x1x1xf32>
      %sub3A_238 = vector.broadcast %broadcast_in_dim3A_237 : vector<1x1x1xf32> to vector<20x8x128xf32>
      %sub3A_239 = arith.subf %get3A_235, %sub3A_238 : vector<20x8x128xf32>
      %integer_pow3A_240 = arith.mulf %sub3A_239, %sub3A_239 : vector<20x8x128xf32>
      %add3A_241 = arith.addf %add3A_229, %integer_pow3A_240 : vector<20x8x128xf32>
      %min3A = arith.minimumf %scan3A_99, %add3A_241 : vector<20x8x128xf32>
      scf.yield %min3A : vector<20x8x128xf32>
    }
    %scan3A_97 = arith.constant 1023 : i32
    return
  }
}

module attributes {stable_mosaic.version = 14 : i64} {
  func.func @_knn_kernel(%arg0: i32, %arg1: memref<2048x8xf32, #tpu.memory_space<vmem>>, %arg2: memref<8x1024xf32, #tpu.memory_space<vmem>>, %arg3: memref<2048x1xi32, #tpu.memory_space<vmem>>, %arg4: memref<2048x16xi32, #tpu.memory_space<vmem>>) attributes {dimension_semantics = [#tpu.dimension_semantics<arbitrary>], iteration_bounds = array<i64: 10>, scalar_prefetch = 0 : i64, scratch_operands = 0 : i64, tpu.core_type = #tpu.core_type<tc>, window_params = [{transform_indices = @transform_0, window_bounds = array<i64: 2048, 8>}, {pipeline_mode = #tpu.pipeline_mode<synchronous>, transform_indices = @transform_1, window_bounds = array<i64: 8, 1024>}, {transform_indices = @transform_2, window_bounds = array<i64: 2048, 1>}, {transform_indices = @transform_3, window_bounds = array<i64: 2048, 16>}]} {
    %get3A = arith.constant 0 : index
    %get3A_0 = arith.constant 0 : index
    %get3A_1 = vector.load %arg1[%get3A, %get3A_0] : memref<2048x8xf32, #tpu.memory_space<vmem>>, vector<2048x8xf32>
    %get3A_2 = arith.constant 0 : index
    %get3A_3 = arith.constant 0 : index
    %get3A_4 = vector.load %arg2[%get3A_2, %get3A_3] : memref<8x1024xf32, #tpu.memory_space<vmem>>, vector<8x1024xf32>
    %mul3A = arith.mulf %get3A_1, %get3A_1 : vector<2048x8xf32>
    %reduce_sum3A = arith.constant dense<0.000000e+00> : vector<2048xf32>
    %reduce_sum3A_5 = vector.multi_reduction <add>, %mul3A, %reduce_sum3A [1] : vector<2048x8xf32> to vector<2048xf32>
    %broadcast_in_dim3A = vector.shape_cast %reduce_sum3A_5 : vector<2048xf32> to vector<2048x1xf32>
    %mul3A_6 = arith.mulf %get3A_4, %get3A_4 : vector<8x1024xf32>
    %reduce_sum3A_7 = arith.constant dense<0.000000e+00> : vector<1024xf32>
    %reduce_sum3A_8 = vector.multi_reduction <add>, %mul3A_6, %reduce_sum3A_7 [0] : vector<8x1024xf32> to vector<1024xf32>
    %broadcast_in_dim3A_9 = vector.shape_cast %reduce_sum3A_8 : vector<1024xf32> to vector<1x1024xf32>
    %dot_general3A = arith.constant dense<0.000000e+00> : vector<2048x1024xf32>
    %dot_general3A_10 = tpu.matmul %get3A_1, %get3A_4, %dot_general3A {dimension_numbers = #tpu.dot_dimension_numbers<[1], [0], [0], [1], [0, 0, 1, 1], [], []>, transpose_lhs_hint = false} : vector<2048x8xf32>, vector<8x1024xf32>, vector<2048x1024xf32> -> vector<2048x1024xf32>
    %add3A = vector.broadcast %broadcast_in_dim3A : vector<2048x1xf32> to vector<2048x1024xf32>
    %add3A_11 = vector.broadcast %broadcast_in_dim3A_9 : vector<1x1024xf32> to vector<2048x1024xf32>
    %add3A_12 = arith.addf %add3A, %add3A_11 : vector<2048x1024xf32>
    %mul3A_13 = arith.constant 2.000000e+00 : f32
    %mul3A_14 = vector.broadcast %mul3A_13 : f32 to vector<2048x1024xf32>
    %mul3A_15 = arith.mulf %mul3A_14, %dot_general3A_10 : vector<2048x1024xf32>
    %sub3A = arith.subf %add3A_12, %mul3A_15 : vector<2048x1024xf32>
    %reduce_min3A = arith.constant dense<0x7F800000> : vector<2048xf32>
    %reduce_min3A_16 = vector.multi_reduction <minimumf>, %sub3A, %reduce_min3A [1] : vector<2048x1024xf32> to vector<2048xf32>
    %broadcast_in_dim3A_17 = vector.shape_cast %reduce_min3A_16 : vector<2048xf32> to vector<2048x1xf32>
    %iota3A = tpu.iota {dimensions = array<i32: 1>} : vector<2048x1024xi32>
    %eq3A = vector.broadcast %broadcast_in_dim3A_17 : vector<2048x1xf32> to vector<2048x1024xf32>
    %eq3A_18 = arith.cmpf oeq, %sub3A, %eq3A : vector<2048x1024xf32>
    %jit3A = arith.constant 1024 : i32
    %broadcast_in_dim3A_19 = vector.broadcast %jit3A : i32 to vector<2048x1024xi32>
    %select_n3A = arith.select %eq3A_18, %iota3A, %broadcast_in_dim3A_19 : vector<2048x1024xi1>, vector<2048x1024xi32>
    %reduce_min3A_20 = arith.constant dense<2147483647> : vector<2048xi32>
    %reduce_min3A_21 = vector.multi_reduction <minsi>, %select_n3A, %reduce_min3A_20 [1] : vector<2048x1024xi32> to vector<2048xi32>
    %broadcast_in_dim3A_22 = vector.shape_cast %reduce_min3A_21 : vector<2048xi32> to vector<2048x1xi32>
    %swap3A = arith.constant 0 : index
    %swap3A_23 = arith.constant 0 : index
    %swap3A_24 = vector.load %arg3[%swap3A, %swap3A_23] : memref<2048x1xi32, #tpu.memory_space<vmem>>, vector<2048x1xi32>
    tpu.vector_store %arg3[%swap3A, %swap3A_23], %broadcast_in_dim3A_22 {strides = array<i32>} : memref<2048x1xi32, #tpu.memory_space<vmem>>, vector<2048x1xi32>,
    %mul3A_25 = arith.constant 16 : i32
    %mul3A_26 = vector.broadcast %mul3A_25 : i32 to vector<2048x1xi32>
    %mul3A_27 = arith.muli %broadcast_in_dim3A_22, %mul3A_26 : vector<2048x1xi32>
    %iota3A_28 = tpu.iota {dimensions = array<i32: 1>} : vector<2048x16xi32>
    %add3A_29 = vector.broadcast %mul3A_27 : vector<2048x1xi32> to vector<2048x16xi32>
    %add3A_30 = arith.addi %add3A_29, %iota3A_28 : vector<2048x16xi32>
    %swap3A_31 = arith.constant 0 : index
    %swap3A_32 = arith.constant 0 : index
    %swap3A_33 = vector.load %arg4[%swap3A_31, %swap3A_32] : memref<2048x16xi32, #tpu.memory_space<vmem>>, vector<2048x16xi32>
    tpu.vector_store %arg4[%swap3A_31, %swap3A_32], %add3A_30 {strides = array<i32>} : memref<2048x16xi32, #tpu.memory_space<vmem>>, vector<2048x16xi32>,
    return
  }
  func.func @transform_0(%arg0: i32) -> (i32, i32) {
    %c0_i32 = arith.constant 0 : i32
    %c0_i32_0 = arith.constant 0 : i32
    return %arg0, %c0_i32 : i32, i32
  }
  func.func @transform_1(%arg0: i32) -> (i32, i32) {
    %c0_i32 = arith.constant 0 : i32
    %c0_i32_0 = arith.constant 0 : i32
    %c0_i32_1 = arith.constant 0 : i32
    return %c0_i32, %c0_i32_0 : i32, i32
  }
  func.func @transform_2(%arg0: i32) -> (i32, i32) {
    %c0_i32 = arith.constant 0 : i32
    %c0_i32_0 = arith.constant 0 : i32
    return %arg0, %c0_i32 : i32, i32
  }
  func.func @transform_3(%arg0: i32) -> (i32, i32) {
    %c0_i32 = arith.constant 0 : i32
    %c0_i32_0 = arith.constant 0 : i32
    return %arg0, %c0_i32 : i32, i32
  }
}

module attributes {stable_mosaic.version = 14 : i64} {
  func.func @_finalize_kernel(%arg0: memref<32x1024x16xf32, #tpu.memory_space<vmem>>, %arg1: memref<1024x16xf32, #tpu.memory_space<vmem>>) attributes {dimension_semantics = [], scalar_prefetch = 0 : i64, scratch_operands = 0 : i64, tpu.core_type = #tpu.core_type<tc>} {
    %get3A = arith.constant 0 : index
    %get3A_0 = arith.constant 0 : index
    %get3A_1 = arith.constant 0 : index
    %get3A_2 = vector.load %arg0[%get3A, %get3A_0, %get3A_1] : memref<32x1024x16xf32, #tpu.memory_space<vmem>>, vector<1x1024x16xf32>
    %get3A_3 = vector.shape_cast %get3A_2 : vector<1x1024x16xf32> to vector<1024x16xf32>
    %get3A_4 = arith.constant 1 : index
    %get3A_5 = arith.constant 0 : index
    %get3A_6 = arith.constant 0 : index
    %get3A_7 = vector.load %arg0[%get3A_4, %get3A_5, %get3A_6] : memref<32x1024x16xf32, #tpu.memory_space<vmem>>, vector<1x1024x16xf32>
    %get3A_8 = vector.shape_cast %get3A_7 : vector<1x1024x16xf32> to vector<1024x16xf32>
    %add3A = arith.addf %get3A_3, %get3A_8 : vector<1024x16xf32>
    %get3A_9 = arith.constant 2 : index
    %get3A_10 = arith.constant 0 : index
    %get3A_11 = arith.constant 0 : index
    %get3A_12 = vector.load %arg0[%get3A_9, %get3A_10, %get3A_11] : memref<32x1024x16xf32, #tpu.memory_space<vmem>>, vector<1x1024x16xf32>
    %get3A_13 = vector.shape_cast %get3A_12 : vector<1x1024x16xf32> to vector<1024x16xf32>
    %add3A_14 = arith.addf %add3A, %get3A_13 : vector<1024x16xf32>
    %get3A_15 = arith.constant 3 : index
    %get3A_16 = arith.constant 0 : index
    %get3A_17 = arith.constant 0 : index
    %get3A_18 = vector.load %arg0[%get3A_15, %get3A_16, %get3A_17] : memref<32x1024x16xf32, #tpu.memory_space<vmem>>, vector<1x1024x16xf32>
    %get3A_19 = vector.shape_cast %get3A_18 : vector<1x1024x16xf32> to vector<1024x16xf32>
    %add3A_20 = arith.addf %add3A_14, %get3A_19 : vector<1024x16xf32>
    %get3A_21 = arith.constant 4 : index
    %get3A_22 = arith.constant 0 : index
    %get3A_23 = arith.constant 0 : index
    %get3A_24 = vector.load %arg0[%get3A_21, %get3A_22, %get3A_23] : memref<32x1024x16xf32, #tpu.memory_space<vmem>>, vector<1x1024x16xf32>
    %get3A_25 = vector.shape_cast %get3A_24 : vector<1x1024x16xf32> to vector<1024x16xf32>
    %add3A_26 = arith.addf %add3A_20, %get3A_25 : vector<1024x16xf32>
    %get3A_27 = arith.constant 5 : index
    %get3A_28 = arith.constant 0 : index
    %get3A_29 = arith.constant 0 : index
    %get3A_30 = vector.load %arg0[%get3A_27, %get3A_28, %get3A_29] : memref<32x1024x16xf32, #tpu.memory_space<vmem>>, vector<1x1024x16xf32>
    %get3A_31 = vector.shape_cast %get3A_30 : vector<1x1024x16xf32> to vector<1024x16xf32>
    %add3A_32 = arith.addf %add3A_26, %get3A_31 : vector<1024x16xf32>
    %get3A_33 = arith.constant 6 : index
    %get3A_34 = arith.constant 0 : index
    %get3A_35 = arith.constant 0 : index
    %get3A_36 = vector.load %arg0[%get3A_33, %get3A_34, %get3A_35] : memref<32x1024x16xf32, #tpu.memory_space<vmem>>, vector<1x1024x16xf32>
    %get3A_37 = vector.shape_cast %get3A_36 : vector<1x1024x16xf32> to vector<1024x16xf32>
    %add3A_38 = arith.addf %add3A_32, %get3A_37 : vector<1024x16xf32>
    %get3A_39 = arith.constant 7 : index
    %get3A_40 = arith.constant 0 : index
    %get3A_41 = arith.constant 0 : index
    %get3A_42 = vector.load %arg0[%get3A_39, %get3A_40, %get3A_41] : memref<32x1024x16xf32, #tpu.memory_space<vmem>>, vector<1x1024x16xf32>
    %get3A_43 = vector.shape_cast %get3A_42 : vector<1x1024x16xf32> to vector<1024x16xf32>
    %add3A_44 = arith.addf %add3A_38, %get3A_43 : vector<1024x16xf32>
    %get3A_45 = arith.constant 8 : index
    %get3A_46 = arith.constant 0 : index
    %get3A_47 = arith.constant 0 : index
    %get3A_48 = vector.load %arg0[%get3A_45, %get3A_46, %get3A_47] : memref<32x1024x16xf32, #tpu.memory_space<vmem>>, vector<1x1024x16xf32>
    %get3A_49 = vector.shape_cast %get3A_48 : vector<1x1024x16xf32> to vector<1024x16xf32>
    %add3A_50 = arith.addf %add3A_44, %get3A_49 : vector<1024x16xf32>
    %get3A_51 = arith.constant 9 : index
    %get3A_52 = arith.constant 0 : index
    %get3A_53 = arith.constant 0 : index
    %get3A_54 = vector.load %arg0[%get3A_51, %get3A_52, %get3A_53] : memref<32x1024x16xf32, #tpu.memory_space<vmem>>, vector<1x1024x16xf32>
    %get3A_55 = vector.shape_cast %get3A_54 : vector<1x1024x16xf32> to vector<1024x16xf32>
    %add3A_56 = arith.addf %add3A_50, %get3A_55 : vector<1024x16xf32>
    %get3A_57 = arith.constant 10 : index
    %get3A_58 = arith.constant 0 : index
    %get3A_59 = arith.constant 0 : index
    %get3A_60 = vector.load %arg0[%get3A_57, %get3A_58, %get3A_59] : memref<32x1024x16xf32, #tpu.memory_space<vmem>>, vector<1x1024x16xf32>
    %get3A_61 = vector.shape_cast %get3A_60 : vector<1x1024x16xf32> to vector<1024x16xf32>
    %add3A_62 = arith.addf %add3A_56, %get3A_61 : vector<1024x16xf32>
    %get3A_63 = arith.constant 11 : index
    %get3A_64 = arith.constant 0 : index
    %get3A_65 = arith.constant 0 : index
    %get3A_66 = vector.load %arg0[%get3A_63, %get3A_64, %get3A_65] : memref<32x1024x16xf32, #tpu.memory_space<vmem>>, vector<1x1024x16xf32>
    %get3A_67 = vector.shape_cast %get3A_66 : vector<1x1024x16xf32> to vector<1024x16xf32>
    %add3A_68 = arith.addf %add3A_62, %get3A_67 : vector<1024x16xf32>
    %get3A_69 = arith.constant 12 : index
    %get3A_70 = arith.constant 0 : index
    %get3A_71 = arith.constant 0 : index
    %get3A_72 = vector.load %arg0[%get3A_69, %get3A_70, %get3A_71] : memref<32x1024x16xf32, #tpu.memory_space<vmem>>, vector<1x1024x16xf32>
    %get3A_73 = vector.shape_cast %get3A_72 : vector<1x1024x16xf32> to vector<1024x16xf32>
    %add3A_74 = arith.addf %add3A_68, %get3A_73 : vector<1024x16xf32>
    %get3A_75 = arith.constant 13 : index
    %get3A_76 = arith.constant 0 : index
    %get3A_77 = arith.constant 0 : index
    %get3A_78 = vector.load %arg0[%get3A_75, %get3A_76, %get3A_77] : memref<32x1024x16xf32, #tpu.memory_space<vmem>>, vector<1x1024x16xf32>
    %get3A_79 = vector.shape_cast %get3A_78 : vector<1x1024x16xf32> to vector<1024x16xf32>
    %add3A_80 = arith.addf %add3A_74, %get3A_79 : vector<1024x16xf32>
    %get3A_81 = arith.constant 14 : index
    %get3A_82 = arith.constant 0 : index
    %get3A_83 = arith.constant 0 : index
    %get3A_84 = vector.load %arg0[%get3A_81, %get3A_82, %get3A_83] : memref<32x1024x16xf32, #tpu.memory_space<vmem>>, vector<1x1024x16xf32>
    %get3A_85 = vector.shape_cast %get3A_84 : vector<1x1024x16xf32> to vector<1024x16xf32>
    %add3A_86 = arith.addf %add3A_80, %get3A_85 : vector<1024x16xf32>
    %get3A_87 = arith.constant 15 : index
    %get3A_88 = arith.constant 0 : index
    %get3A_89 = arith.constant 0 : index
    %get3A_90 = vector.load %arg0[%get3A_87, %get3A_88, %get3A_89] : memref<32x1024x16xf32, #tpu.memory_space<vmem>>, vector<1x1024x16xf32>
    %get3A_91 = vector.shape_cast %get3A_90 : vector<1x1024x16xf32> to vector<1024x16xf32>
    %add3A_92 = arith.addf %add3A_86, %get3A_91 : vector<1024x16xf32>
    %get3A_93 = arith.constant 16 : index
    %get3A_94 = arith.constant 0 : index
    %get3A_95 = arith.constant 0 : index
    %get3A_96 = vector.load %arg0[%get3A_93, %get3A_94, %get3A_95] : memref<32x1024x16xf32, #tpu.memory_space<vmem>>, vector<1x1024x16xf32>
    %get3A_97 = vector.shape_cast %get3A_96 : vector<1x1024x16xf32> to vector<1024x16xf32>
    %add3A_98 = arith.addf %add3A_92, %get3A_97 : vector<1024x16xf32>
    %get3A_99 = arith.constant 17 : index
    %get3A_100 = arith.constant 0 : index
    %get3A_101 = arith.constant 0 : index
    %get3A_102 = vector.load %arg0[%get3A_99, %get3A_100, %get3A_101] : memref<32x1024x16xf32, #tpu.memory_space<vmem>>, vector<1x1024x16xf32>
    %get3A_103 = vector.shape_cast %get3A_102 : vector<1x1024x16xf32> to vector<1024x16xf32>
    %add3A_104 = arith.addf %add3A_98, %get3A_103 : vector<1024x16xf32>
    %get3A_105 = arith.constant 18 : index
    %get3A_106 = arith.constant 0 : index
    %get3A_107 = arith.constant 0 : index
    %get3A_108 = vector.load %arg0[%get3A_105, %get3A_106, %get3A_107] : memref<32x1024x16xf32, #tpu.memory_space<vmem>>, vector<1x1024x16xf32>
    %get3A_109 = vector.shape_cast %get3A_108 : vector<1x1024x16xf32> to vector<1024x16xf32>
    %add3A_110 = arith.addf %add3A_104, %get3A_109 : vector<1024x16xf32>
    %get3A_111 = arith.constant 19 : index
    %get3A_112 = arith.constant 0 : index
    %get3A_113 = arith.constant 0 : index
    %get3A_114 = vector.load %arg0[%get3A_111, %get3A_112, %get3A_113] : memref<32x1024x16xf32, #tpu.memory_space<vmem>>, vector<1x1024x16xf32>
    %get3A_115 = vector.shape_cast %get3A_114 : vector<1x1024x16xf32> to vector<1024x16xf32>
    %add3A_116 = arith.addf %add3A_110, %get3A_115 : vector<1024x16xf32>
    %get3A_117 = arith.constant 20 : index
    %get3A_118 = arith.constant 0 : index
    %get3A_119 = arith.constant 0 : index
    %get3A_120 = vector.load %arg0[%get3A_117, %get3A_118, %get3A_119] : memref<32x1024x16xf32, #tpu.memory_space<vmem>>, vector<1x1024x16xf32>
    %get3A_121 = vector.shape_cast %get3A_120 : vector<1x1024x16xf32> to vector<1024x16xf32>
    %add3A_122 = arith.addf %add3A_116, %get3A_121 : vector<1024x16xf32>
    %get3A_123 = arith.constant 21 : index
    %get3A_124 = arith.constant 0 : index
    %get3A_125 = arith.constant 0 : index
    %get3A_126 = vector.load %arg0[%get3A_123, %get3A_124, %get3A_125] : memref<32x1024x16xf32, #tpu.memory_space<vmem>>, vector<1x1024x16xf32>
    %get3A_127 = vector.shape_cast %get3A_126 : vector<1x1024x16xf32> to vector<1024x16xf32>
    %add3A_128 = arith.addf %add3A_122, %get3A_127 : vector<1024x16xf32>
    %get3A_129 = arith.constant 22 : index
    %get3A_130 = arith.constant 0 : index
    %get3A_131 = arith.constant 0 : index
    %get3A_132 = vector.load %arg0[%get3A_129, %get3A_130, %get3A_131] : memref<32x1024x16xf32, #tpu.memory_space<vmem>>, vector<1x1024x16xf32>
    %get3A_133 = vector.shape_cast %get3A_132 : vector<1x1024x16xf32> to vector<1024x16xf32>
    %add3A_134 = arith.addf %add3A_128, %get3A_133 : vector<1024x16xf32>
    %get3A_135 = arith.constant 23 : index
    %get3A_136 = arith.constant 0 : index
    %get3A_137 = arith.constant 0 : index
    %get3A_138 = vector.load %arg0[%get3A_135, %get3A_136, %get3A_137] : memref<32x1024x16xf32, #tpu.memory_space<vmem>>, vector<1x1024x16xf32>
    %get3A_139 = vector.shape_cast %get3A_138 : vector<1x1024x16xf32> to vector<1024x16xf32>
    %add3A_140 = arith.addf %add3A_134, %get3A_139 : vector<1024x16xf32>
    %get3A_141 = arith.constant 24 : index
    %get3A_142 = arith.constant 0 : index
    %get3A_143 = arith.constant 0 : index
    %get3A_144 = vector.load %arg0[%get3A_141, %get3A_142, %get3A_143] : memref<32x1024x16xf32, #tpu.memory_space<vmem>>, vector<1x1024x16xf32>
    %get3A_145 = vector.shape_cast %get3A_144 : vector<1x1024x16xf32> to vector<1024x16xf32>
    %add3A_146 = arith.addf %add3A_140, %get3A_145 : vector<1024x16xf32>
    %get3A_147 = arith.constant 25 : index
    %get3A_148 = arith.constant 0 : index
    %get3A_149 = arith.constant 0 : index
    %get3A_150 = vector.load %arg0[%get3A_147, %get3A_148, %get3A_149] : memref<32x1024x16xf32, #tpu.memory_space<vmem>>, vector<1x1024x16xf32>
    %get3A_151 = vector.shape_cast %get3A_150 : vector<1x1024x16xf32> to vector<1024x16xf32>
    %add3A_152 = arith.addf %add3A_146, %get3A_151 : vector<1024x16xf32>
    %get3A_153 = arith.constant 26 : index
    %get3A_154 = arith.constant 0 : index
    %get3A_155 = arith.constant 0 : index
    %get3A_156 = vector.load %arg0[%get3A_153, %get3A_154, %get3A_155] : memref<32x1024x16xf32, #tpu.memory_space<vmem>>, vector<1x1024x16xf32>
    %get3A_157 = vector.shape_cast %get3A_156 : vector<1x1024x16xf32> to vector<1024x16xf32>
    %add3A_158 = arith.addf %add3A_152, %get3A_157 : vector<1024x16xf32>
    %get3A_159 = arith.constant 27 : index
    %get3A_160 = arith.constant 0 : index
    %get3A_161 = arith.constant 0 : index
    %get3A_162 = vector.load %arg0[%get3A_159, %get3A_160, %get3A_161] : memref<32x1024x16xf32, #tpu.memory_space<vmem>>, vector<1x1024x16xf32>
    %get3A_163 = vector.shape_cast %get3A_162 : vector<1x1024x16xf32> to vector<1024x16xf32>
    %add3A_164 = arith.addf %add3A_158, %get3A_163 : vector<1024x16xf32>
    %get3A_165 = arith.constant 28 : index
    %get3A_166 = arith.constant 0 : index
    %get3A_167 = arith.constant 0 : index
    %get3A_168 = vector.load %arg0[%get3A_165, %get3A_166, %get3A_167] : memref<32x1024x16xf32, #tpu.memory_space<vmem>>, vector<1x1024x16xf32>
    %get3A_169 = vector.shape_cast %get3A_168 : vector<1x1024x16xf32> to vector<1024x16xf32>
    %add3A_170 = arith.addf %add3A_164, %get3A_169 : vector<1024x16xf32>
    %get3A_171 = arith.constant 29 : index
    %get3A_172 = arith.constant 0 : index
    %get3A_173 = arith.constant 0 : index
    %get3A_174 = vector.load %arg0[%get3A_171, %get3A_172, %get3A_173] : memref<32x1024x16xf32, #tpu.memory_space<vmem>>, vector<1x1024x16xf32>
    %get3A_175 = vector.shape_cast %get3A_174 : vector<1x1024x16xf32> to vector<1024x16xf32>
    %add3A_176 = arith.addf %add3A_170, %get3A_175 : vector<1024x16xf32>
    %get3A_177 = arith.constant 30 : index
    %get3A_178 = arith.constant 0 : index
    %get3A_179 = arith.constant 0 : index
    %get3A_180 = vector.load %arg0[%get3A_177, %get3A_178, %get3A_179] : memref<32x1024x16xf32, #tpu.memory_space<vmem>>, vector<1x1024x16xf32>
    %get3A_181 = vector.shape_cast %get3A_180 : vector<1x1024x16xf32> to vector<1024x16xf32>
    %add3A_182 = arith.addf %add3A_176, %get3A_181 : vector<1024x16xf32>
    %get3A_183 = arith.constant 31 : index
    %get3A_184 = arith.constant 0 : index
    %get3A_185 = arith.constant 0 : index
    %get3A_186 = vector.load %arg0[%get3A_183, %get3A_184, %get3A_185] : memref<32x1024x16xf32, #tpu.memory_space<vmem>>, vector<1x1024x16xf32>
    %get3A_187 = vector.shape_cast %get3A_186 : vector<1x1024x16xf32> to vector<1024x16xf32>
    %add3A_188 = arith.addf %add3A_182, %get3A_187 : vector<1024x16xf32>
    %slice3A = vector.extract_strided_slice %add3A_188 {offsets = [0, 6], sizes = [1024, 1], strides = [1, 1]} : vector<1024x16xf32> to vector<1024x1xf32>
    %max3A = arith.constant 1.000000e+00 : f32
    %max3A_189 = vector.broadcast %max3A : f32 to vector<1024x1xf32>
    %max3A_190 = arith.maximumf %slice3A, %max3A_189 : vector<1024x1xf32>
    %div3A = vector.broadcast %max3A_190 : vector<1024x1xf32> to vector<1024x16xf32>
    %div3A_191 = arith.divf %add3A_188, %div3A : vector<1024x16xf32>
    %swap3A = arith.constant 0 : index
    %swap3A_192 = arith.constant 0 : index
    %swap3A_193 = vector.load %arg1[%swap3A, %swap3A_192] : memref<1024x16xf32, #tpu.memory_space<vmem>>, vector<1024x16xf32>
    tpu.vector_store %arg1[%swap3A, %swap3A_192], %div3A_191 {strides = array<i32>} : memref<1024x16xf32, #tpu.memory_space<vmem>>, vector<1024x16xf32>,
    return
  }
}

</mosaic_0001>

<sc_bundles>
// kernel: kernel.6.cloned.1.call-start
scs
__scs_entry_jumppad:
0x0: {  	(pc) =	sbr.rel $0x88, $3  }
0x1: {  	(tag) =	ssettag $0x0;
	lr =	simm.s32 $0x1  }
0x2: {  	[smem:$0x3F9E] =	sst lr;
	_ =	strace $0xD0000000  }
0x3: {  	_ = 	snop  }
0x4: {  	_ = 	snop  }
0x5: {  	_ = 	snop  }
0x6: {  	_ = 	snop  }
0x7: {  	_ = 	snop  }
__scs_overlays_trampoline_lowered:
0x8: {  	[smem:$0x3FAD] =	sst s0  }
0x9: {  	[smem:$0x3FAE] =	sst s1  }
0xa: {  	[smem:$0x3FAF] =	sst s2  }
0xb: {  	[smem:$0x3FB0] =	sst s3  }
0xc: {  	[smem:$0x3FB1] =	sst s4  }
0xd: {  	[smem:$0x3FB2] =	sst s5  }
0xe: {  	[smem:$0x3FB3] =	sst s6  }
0xf: {  	[smem:$0x3FB4] =	sst s7  }
0x10: {  	[smem:$0x3FB5] =	sst s8  }
0x11: {  	[smem:$0x3FB6] =	sst s9;
	s0 =	simm.s32 @!p0 $0x0  }
0x12: {  	s1 =	sld [smem:$0x3F9C];
	s0 =	simm.s32 @p0 $0x1  }
0x13: {  	[smem:$0x3FB7] =	sst s0;
	s0 =	simm.s32 @!p1 $0x0  }
0x14: {  	s2 =	sld [smem:$0x3F9B];
	s0 =	simm.s32 @p1 $0x1  }
0x15: {  	[smem:$0x3FB8] =	sst s0;
	s0 =	simm.s32 @!p2 $0x0  }
0x16: {  	s3 =	sld [smem:$0x3FDB];
	s0 =	simm.s32 @p2 $0x1  }
0x17: {  	s4 =	simm.s32 $0x1BF5;
	[smem:$0x3FBA] =	sst s0  }
0x18: {  	s0 =	sld [smem:$0x3F9D];
	_ =	swait.ge [sflag:s4], $0x0  }
0x19: {  	s7 =	sld [smem:$0x3F9E]  }
0x1a: {  	s8 =	sadd.s32 $0xFFFFE003, lr  }
0x1b: {  	s9 =	sadd.s32 $0xFFFFFEF7, lr;
	s5 =	simm.s32 $0xFFFFFFFF;
	p2 =	slt.u32 s8, $0xFFFFF086  }
0x1c: {  	p1 =	slt.u32 s9, $0xF7A;
	s5 =	simm.s32 @!p2 $0x0  }
0x1d: {  	s5 =	simm.s32 @p1 $0x1;
	p0 =	seq.s32 s7, s2  }
0x1e: {  	s7 =	smul.u32 @!p0 $0xF7A, s2;
	p2 =	seq.s32 @!p0 s5, $0x0  }
0x1f: {  	s9 =	smul.u32 $0xF7A, s1;
	s8 =	simm.s32 @!p0 $0x1BF5;
	p2 =	por !p2, p0  }
0x20: {  	[sflag:s8] =	ssyncset.s32 @!p0 $0xFFFFF086;
	s6 =	sadd.s32 @!p0 s3, s7;
	s7 =	simm.s32 @!p0 $0x108  }
0x21: {  	s3 =	sadd.s32 s3, s9;
	s6 =	sadd.s32 @!p0 $0x88, s6;
	s7 =	simm.s32 @p2 $0x1082  }
0x22: {  	[simem:s7], [sflag:s8] =	dma.local @!p0 [hbm:s6], $0xF7A  }
0x23: {  	s9 =	sor.u32 $0xD0000000, s2;
	s6 =	simm.s32 $0x108;
	_ =	swait.ge @!p0 [sflag:s8], $0x0  }
0x24: {  	s3 =	sadd.s32 $0x88, s3;
	s6 =	simm.s32 @!p1 $0x1082;
	[sflag:s4] =	ssyncset.s32 $0xFFFFF086  }
0x25: {  	[simem:s6], [sflag:s4] =	dma.local [hbm:s3], $0xF7A  }
0x26: {  	[smem:$0x3F9E] =	sst s1;
	(tag) =	ssettag s2;
	_ =	strace s9  }
0x27: {  	s1 =	sld [smem:$0x3FAE]  }
0x28: {  	s2 =	sld [smem:$0x3FAF]  }
0x29: {  	s4 =	sld [smem:$0x3FB1]  }
0x2a: {  	p0 =	seq.s32 s5, $0x0;
	s5 =	sld [smem:$0x3FB2]  }
0x2b: {  	s6 =	sld [smem:$0x3FB3]  }
0x2c: {  	s7 =	sld [smem:$0x3FB4]  }
0x2d: {  	s3 =	simm.s32 $0x108;
	s8 =	sld [smem:$0x3FB5]  }
0x2e: {  	s3 =	simm.s32 @!p0 $0x1082;
	s9 =	sld [smem:$0x3FB6]  }
0x2f: {  	lr =	sadd.s32 s0, s3;
	s0 =	sld [smem:$0x3FAD]  }
0x30: {  	s3 =	sld [smem:$0x3FB0]  }
0x31: {  	[smem:$0x3FB9] =	sst s10  }
0x32: {  	s10 =	sld [smem:$0x3FB7];
	_ =	sdelay $0x3  }
0x33: {  	p0 =	seq.s32 s10, $0x1;
	s10 =	sld [smem:$0x3FB9];
	_ =	sdelay $0x3  }
0x34: {  	[smem:$0x3FB9] =	sst s10  }
0x35: {  	s10 =	sld [smem:$0x3FB8];
	_ =	sdelay $0x3  }
0x36: {  	p1 =	seq.s32 s10, $0x1;
	s10 =	sld [smem:$0x3FB9];
	_ =	sdelay $0x3  }
0x37: {  	[smem:$0x3FB9] =	sst s10  }
0x38: {  	s10 =	sld [smem:$0x3FBA]  }
0x39: {  	_ = 	snop;
	(pc) =	sbr.ind lr, $3  }
0x3a: {  	_ = 	snop  }
0x3b: {  	_ = 	snop  }
0x3c: {  	p2 =	seq.s32 s10, $0x1;
	s10 =	sld [smem:$0x3FB9]  }
0x3d: {  	_ =	shalt  }
0x3e: {  	_ =	shalt  }
0x3f: {  	_ =	shalt  }
0x40: {  	_ =	shalt  }
0x41: {  	_ =	shalt  }
0x42: {  	_ =	shalt  }
0x43: {  	_ =	shalt  }
0x44: {  	_ =	shalt  }
0x45: {  	_ =	shalt  }
0x46: {  	_ =	shalt  }
0x47: {  	_ =	shalt  }
0x48: {  	_ =	shalt  }
0x49: {  	_ =	shalt  }
0x4a: {  	_ =	shalt  }
0x4b: {  	_ =	shalt  }
0x4c: {  	_ =	shalt  }
0x4d: {  	_ =	shalt  }
0x4e: {  	_ =	shalt  }
0x4f: {  	_ =	shalt  }
0x50: {  	_ =	shalt  }
0x51: {  	_ =	shalt  }
0x52: {  	_ =	shalt  }
0x53: {  	_ =	shalt  }
0x54: {  	_ =	shalt  }
0x55: {  	_ =	shalt  }
0x56: {  	_ =	shalt  }
0x57: {  	_ =	shalt  }
0x58: {  	_ =	shalt  }
0x59: {  	_ =	shalt  }
0x5a: {  	_ =	shalt  }
0x5b: {  	_ =	shalt  }
0x5c: {  	_ =	shalt  }
0x5d: {  	_ =	shalt  }
0x5e: {  	_ =	shalt  }
0x5f: {  	_ =	shalt  }
0x60: {  	_ =	shalt  }
0x61: {  	_ =	shalt  }
0x62: {  	_ =	shalt  }
0x63: {  	_ =	shalt  }
0x64: {  	_ =	shalt  }
0x65: {  	_ =	shalt  }
0x66: {  	_ =	shalt  }
0x67: {  	_ =	shalt  }
0x68: {  	_ =	shalt  }
0x69: {  	_ =	shalt  }
0x6a: {  	_ =	shalt  }
0x6b: {  	_ =	shalt  }
0x6c: {  	_ =	shalt  }
0x6d: {  	_ =	shalt  }
0x6e: {  	_ =	shalt  }
0x6f: {  	_ =	shalt  }
0x70: {  	_ =	shalt  }
0x71: {  	_ =	shalt  }
0x72: {  	_ =	shalt  }
0x73: {  	_ =	shalt  }
0x74: {  	_ =	shalt  }
0x75: {  	_ =	shalt  }
0x76: {  	_ =	shalt  }
0x77: {  	_ =	shalt  }
0x78: {  	_ =	shalt  }
0x79: {  	_ =	shalt  }
0x7a: {  	_ =	shalt  }
0x7b: {  	_ =	shalt  }
0x7c: {  	_ =	shalt  }
0x7d: {  	_ =	shalt  }
0x7e: {  	_ =	shalt  }
0x7f: {  	_ =	shalt  }
0x80: {  	_ =	shalt  }
0x81: {  	_ =	shalt  }
0x82: {  	_ =	shalt  }
0x83: {  	_ =	shalt  }
0x84: {  	_ =	shalt  }
0x85: {  	_ =	shalt  }
0x86: {  	_ =	shalt  }
0x87: {  	_ =	shalt  }
.Lfunc_end0:
.L_simem_size_0:
called_computation_lowered:
.L_overlay_start_0:
0x88: {  	s2 =	sld [smem:$0x3FD9]  }
0x89: {  	s3 =	sld [smem:$0x3FFE];
	_ =	sdelay $0x1  }
0x8a: {  	s1 =	srdreg.scid  }
0x8b: {  	s0 =	sand.u32 $0x1, s1  }
0x8c: {  	s16 =	sshll.u32 s0, $0xA;
	s2 =	sadd.s32 s3, s2  }
0x8d: {  	s2 =	sadd.s32 s2, s16  }
0x8e: {  	[smem:$0x3FC5] =	sst s2  }
0x8f: {  	_ = 	snop  }
0x90: {  	(tm) =	ssettm $0x1  }
0x91: {  	s17 =	sld [smem:$0x3FFB];
	_ =	sdelay $0x3  }
0x92: {  	_ =	strace s17  }
0x93: {  	s2 =	sld [smem:$0x3FFC];
	_ =	sdelay $0x3  }
0x94: {  	_ =	strace s2  }
0x95: {  	s2 =	sld [smem:$0x3FFD];
	_ =	sdelay $0x3  }
0x96: {  	_ =	strace s2  }
0x97: {  	_ =	strace $0x8FFFFFFF  }
0x98: {  	s18 =	sld [smem:$0x3FDB];
	_ =	sdelay $0x1  }
0x99: {  	s19 =	simm.s32 $_scs_section_size  }
0x9a: {  	s4 =	simm.s32 $_size__tile_overlayer_lowered;
	s5 =	simm.s32 $_tile_overlayer_lowered  }
0x9b: {  	s22 =	simm.s32 $0x1BFF;
	s21 =	sshll.u32 s5, $0x1;
	s2 =	sadd.s32 s19, s18  }
0x9c: {  	s6 =	simm.s32 $0x0;
	s20 =	sshll.u32 s4, $0x1;
	s4 =	sadd.s32 s21, s2  }
0x9d: {  	[timem:s6], [sflag:s22] =	dma.local [hbm:s4], s20  }
0x9e: {  	_ =	swait.ge [sflag:s22], s20  }
0x9f: {  	s3 =	ssub.s32 $0x0, s20;
	[sflag:s22] =	ssyncset.done $0x0  }
0xa0: {  	[sflag:s22] =	ssyncadd.s32 s3;
	_ =	sdelay $0x1  }
0xa1: {  	s23 =	simm.s32 $0x1B8B  }
0xa2: {  	_ =	swait.ge [sflag:s23], $0x1  }
0xa3: {  	[sflag:s23] =	ssyncset.done $0x0  }
0xa4: {  	s25 =	simm.s32 $0x1B8E;
	s24 =	sld [smem:$0x3FFE];
	[sflag:s23] =	ssyncadd.s32 $0xFFFFFFFF  }
0xa5: {  	s26 =	simm.s32 $execute0_lowered;
	[smem:$0x3FD2] =	sst s25  }
0xa6: {  	s4 =	sshll.u32 s26, $0x1;
	_ =	strace $0x80000046;
	[dreg:$0x1] =	wrdreg $0xFFFFFFFF  }
0xa7: {  	s28 =	simm.s32 $_size_execute0_lowered;
	s2 =	sadd.s32 s2, s4;
	[dreg:$0x0] =	wrdreg $0x0  }
0xa8: {  	s4 =	sshll.u32 s28, $0x1;
	[dreg:$0x2] =	wrdreg s2  }
0xa9: {  	[dreg:$0x3] =	wrdreg s4  }
0xaa: {  	[dreg:$0x4] =	wrdreg $0xC0  }
0xab: {  	_ =	task [dreg:s6], $0x5FFFF  }
0xac: {  	[dreg:$0x1] =	wrdreg $0xFFFFFFFF  }
0xad: {  	[dreg:$0x0] =	wrdreg $0x60  }
0xae: {  	[dreg:$0x2] =	wrdreg s24  }
0xaf: {  	[dreg:$0x3] =	wrdreg $0x9  }
0xb0: {  	_ =	task.clear_ibuf [dreg:s6], $0x4FFFF;
	_ =	strace $0x90000046  }
0xb1: {  	s29 =	simm.s32 $0x9;
	_ =	strace $0x80000048  }
0xb2: {  	_ =	swait.ge [sflag:s29], $0x1  }
0xb3: {  	[sflag:s29] =	ssyncadd.s32 $0xFFFFFFFF  }
0xb4: {  	_ =	strace $0x90000048  }
0xb5: {  	_ =	sfence  }
0xb6: {  	s30 =	sld [smem:$0x0];
	_ =	sdelay $0x2  }
0xb7: {  	s31 =	sshll.u32 s1, $0xD;
	s1 =	sshrl.u32 s1, $0x2  }
0xb8: {  	s3 =	sand.u32 $0x4000, s31;
	s1 =	sadd.s32 s1, s30  }
0xb9: {  	s0 =	sor.u32 s3, s0;
	s1 =	sshll.u32 s1, $0x11  }
0xba: {  	s0 =	sor.u32 s1, s0  }
0xbb: {  	s0 =	sadd.s32 $0x8F2B, s0  }
0xbc: {  	[sflag:s0] =	ssyncadd.remote.s32 $0x1  }
0xbd: {  	_ =	sfence.sel $0xFFFF  }
0xbe: {  	[dreg:$0x0] =	wrdreg $0xFFFFFFFF;
	(pc) =	sbr.abs _section_cstart, $3  }
0xbf: {  	[dreg:$0x1] =	wrdreg $0xFFFFFFFF  }
0xc0: {  	_ =	task.clear_ibuf [dreg:s6], $0x2FFFF;
	_ =	strace $0x9FFFFFFF  }
0xc1: {  	(tm) =	ssettm $0x7FFFFFFF  }
tec
execute0_lowered:
.L_overlay_start_1:
0x0: {  	(tag) =	ssettag $0x1  }
0x1: {  	s0 =	srdreg.scid;
	s5 =	rddreg [dreg:$0x0]  }
0x2: {  	s1 =	stileid.u32;
	s2 =	simm.s32 $0x0;
	s9 =	simm.s32 $0x2800  }
0x3: {  	s10 =	simm.s32 $0x5000;
	s11 =	simm.s32 $0x80;
	s4 =	sand.u32 $0x1, s0  }
0x4: {  	s12 =	simm.s32 $0x400;
	s0 =	rddreg [dreg:$0x1];
	s3 =	sshll.u32 s4, $0x4  }
0x5: {  	s13 =	simm.s32 $0x0;
	[smem:$0x7FF] =	sst s2;
	s6 =	sor.u32 s1, s3  }
0x6: {  	s8 =	sshll.u32 s1, $0x4;
	_ =	strace $0x80000047;
	s3 =	smul.u32 $0x500, s6  }
0x7: {  	s8 =	sand.u32 $0x70, s8;
	s4 =	ssub.s32 $0x2, s4;
	s6 =	sshll.u32 s6, $0xB  }
0x8: {  	s31 =	sshrl.u32 s4, $0x1;
	s6 =	sand.u32 $0xC000, s6;
	s7 =	sadd.s32 s3, s5  }
0x9: {  	s3 =	sadd.s32 $0x14200, s5;
	s5 =	sadd.s32 s8, s5;
	s8 =	ssub.s32 s4, s31  }
0xa: {  	s4 =	sadd.s32 $0x200, s7;
	s6 =	sadd.s32 s6, s5;
	s5 =	sadd.s32 $0xA200, s7  }
0xb: {  	s7 =	smax.u32 s8, $0x1;
	s8 =	simm.s32 $0x1;
	s6 =	sadd.s32 $0x14A00, s6  }
.LBB2_1:
0xc: {  	[tilespmem:s2], [sflag:$0x1] =	stream.linear.gather [hbm4b:s4+s2], $0x2800, $0x38;
	[tilespmem:$0x9000] =	vst v63  }
0xd: {  	_ =	swait.ge [sflag:s8], $0x2800  }
0xe: {  	[sflag:s8] =	ssyncset.done $0x0  }
0xf: {  	[sflag:s8] =	ssyncadd.s32 $0xFFFFD800  }
0x10: {  	[tilespmem:s9], [sflag:$0x1] =	stream.linear.gather [hbm4b:s5+s2], $0x2800, $0x38;
	[tilespmem:$0x9000] =	vst v63  }
0x11: {  	_ =	swait.ge [sflag:s8], $0x2800  }
0x12: {  	[sflag:s8] =	ssyncset.done $0x0  }
0x13: {  	[sflag:s8] =	ssyncadd.s32 $0xFFFFD800  }
0x14: {  	[tilespmem:s10], [sflag:$0x1] =	stream.linear.gather [hbm4b:s3+s2], $0x4000, $0x38;
	[tilespmem:$0x9000] =	vst v63  }
0x15: {  	_ =	swait.ge [sflag:s8], $0x4000  }
0x16: {  	[sflag:s8] =	ssyncset.done $0x0  }
0x17: {  	s15 =	simm.s32 $0x0;
	s14 =	simm.s32 $0x40;
	[sflag:s8] =	ssyncadd.s32 $0xFFFFC000  }
.LBB2_2:
0x18: {  	p0 =	sne.s32 s14, $0x9FC0;
	v0 =	vld [tilespmem:s15+$0x0];
	_ =	sdelay $0x2  }
0x19: {  	v1 =	vld [tilespmem:s15+$0x2800]  }
.Ltmp0:
0x1a: {  	(pc) =	sbr.rel @p0 .LBB2_2-.Ltmp0, $2  }
0x1b: {  	_ =	sdelay $0x2  }
0x1c: {  	s15 =	sshra.s32 s14, $0x2;
	s14 =	sadd.s32 $0x40, s14;
	[tilespmem:v0+s10+$0x0] =	vst.idx.add.f32.msk $0xffff, v1  }
0x1d: {  	v0 =	vld [tilespmem:s15+$0x0];
	_ =	sdelay $0x2  }
0x1e: {  	v1 =	vld [tilespmem:s15+$0x2800];
	_ =	sdelay $0x2  }
0x1f: {  	s13 =	sadd.s32 $0x1, s13  }
0x20: {  	p0 =	sne.s32 s13, s7  }
.Ltmp1:
0x21: {  	[tilespmem:v0+s10+$0x0] =	vst.idx.add.f32.msk $0xffff, v1;
	(pc) =	sbr.rel @p0 .LBB2_1-.Ltmp1, $4  }
0x22: {  	[hbm4b:s6+s11] =	stream.strided.scatter [tilespmem:s10], [sflag:$0x1], $0x4000, s12, s11, $0x38;
	[tilespmem:$0x9000] =	vst v63  }
0x23: {  	_ =	swait.ge [sflag:s8], $0x4000  }
0x24: {  	[sflag:s8] =	ssyncset.done $0x0  }
0x25: {  	[sflag:s8] =	ssyncadd.s32 $0xFFFFC000  }
0x26: {  	_ =	sfence.sel $0x180000  }
0x27: {  	[bflag:$0x0] =	sbarrier.arrive $0xFFFF  }
0x28: {  	p0 =	sne.s32 s1, $0x0;
	_ =	strace $0x90000047  }
0x29: {  	s0 =	sadd.s32 @!p0 $0x100000, s0;
	[bflag:$0x2] =	sbarrier.arrive $0xFFFF  }
0x2a: {  	[sflag:s0] =	ssyncadd.tile.s32 @!p0 $0x1;
	_ =	shalt  }
.Lfunc_end2:
_tile_overlayer_lowered:
.L_overlay_start_2:
0x2b: {  	(tag) =	ssettag $0x2  }
0x2c: {  	s0 =	rddreg [dreg:$0x0];
	s2 =	stileid.u32  }
0x2d: {  	s1 =	rddreg [dreg:$0x1];
	p0 =	sne.s32 s2, $0x0  }
0x2e: {  	s3 =	rddreg [dreg:$0x2];
	[bflag:$0x3] =	sbarrier.arrive $0xFFFF;
	s2 =	simm.s32 @!p0 $0x1C01  }
0x2f: {  	[timem:s3], [sflag:s2] =	dma.local @!p0 [hbm:s0], s1  }
0x30: {  	s0 =	simm.s32 @!p0 $0x1  }
0x31: {  	_ =	swait.ge @!p0 [sflag:s0], s1  }
0x32: {  	s1 =	ssub.s32 @!p0 $0x0, s1;
	[sflag:s0] =	ssyncset.done @!p0 $0x0  }
0x33: {  	[sflag:s0] =	ssyncadd.s32 @!p0 s1  }
0x34: {  	[bflag:$0x3] =	sbarrier.arrive $0xFFFF  }
0x35: {  	_ =	shalt  }

</sc_bundles>
